<compile_context>
chip_gen: v7x
topology: tpu7x:2x2x1
jax: 0.10.2.dev20260603
libtpu: 0.0.44.dev20260713+nightly
codegen_flags: <defaults>
</compile_context>

<pallas_src>
import jax
import jax.numpy as jnp
from jax import lax
from jax.experimental import pallas as pl
from jax.experimental.pallas import tpu as pltpu
from jax.experimental.pallas import tpu_sc as plsc

_B, _L, _D = 4, 8192, 1024
_ROWS_PER_W = _L // 8
_CR = 16
_NCHUNK = _ROWS_PER_W // _CR
_NGROUP = _NCHUNK // 2
_VREGS = _CR * (_D // 16)


def _sc_body(x_hbm, pos_hbm, out_hbm, *scratch):
    xb = scratch[0:2]
    pb = scratch[2:4]
    ob = scratch[4:6]
    inx = scratch[6:8]
    inp = scratch[8:10]
    outs = scratch[10:12]

    c = lax.axis_index("c")
    s = lax.axis_index("s")
    wid = s * 2 + c
    bi = wid // 8
    row0 = (wid % 8) * _ROWS_PER_W

    def in_copy(i, b):
        r = row0 + i * _CR
        pltpu.async_copy(x_hbm.at[bi, pl.ds(r, _CR), :], xb[b], inx[b])
        pltpu.async_copy(pos_hbm.at[pl.ds(r, _CR), :], pb[b], inp[b])

    def in_wait(i, b):
        r = row0 + i * _CR
        pltpu.make_async_copy(x_hbm.at[bi, pl.ds(r, _CR), :], xb[b], inx[b]).wait()
        pltpu.make_async_copy(pos_hbm.at[pl.ds(r, _CR), :], pb[b], inp[b]).wait()

    def out_copy(i, b):
        r = row0 + i * _CR
        pltpu.async_copy(ob[b], out_hbm.at[bi, pl.ds(r, _CR), :], outs[b])

    def out_wait(i, b):
        r = row0 + i * _CR
        pltpu.make_async_copy(ob[b], out_hbm.at[bi, pl.ds(r, _CR), :], outs[b]).wait()

    def compute(b):
        xref, pref, oref = xb[b], pb[b], ob[b]

        @plsc.parallel_loop(0, _VREGS, 1, unroll=16)
        def add_body(k):
            r = k >> 6
            col = (k & 63) * 16
            oref[r, pl.ds(col, 16)] = (
                xref[r, pl.ds(col, 16)] + pref[r, pl.ds(col, 16)]
            )

    in_copy(0, 0)
    in_copy(1, 1)

    def group(g, carry):
        for b in range(2):
            i = 2 * g + b
            in_wait(i, b)

            @pl.when(g >= 1)
            def _():
                out_wait(i - 2, b)

            compute(b)
            out_copy(i, b)

            @pl.when(g <= _NGROUP - 2)
            def _():
                in_copy(i + 2, b)

        return carry

    lax.fori_loop(0, _NGROUP, group, 0)

    out_wait(_NCHUNK - 2, 0)
    out_wait(_NCHUNK - 1, 1)


def kernel(x, pos_table):
    mesh = plsc.VectorSubcoreMesh(core_axis_name="c", subcore_axis_name="s")
    scratch = (
        [pltpu.VMEM((_CR, _D), jnp.float32)] * 6
        + [pltpu.SemaphoreType.DMA] * 6
    )
    run = pl.kernel(
        _sc_body,
        mesh=mesh,
        out_type=jax.ShapeDtypeStruct((_B, _L, _D), jnp.float32),
        scratch_types=scratch,
    )
    return run(x, pos_table)

# --- scband reference (transcript-rebuilt; emitter-appended) ---
"""Pipeline reference for scband-position-embedding-64089501991531 (READ-ONLY COPY).

The authoritative reference and input builder live on the scoring server;
editing this copy changes nothing except your own understanding.
"""

import jax, jax.numpy as jnp
import numpy as np

MAXLEN = 8192
EMBED_DIM = 1024

def setup_inputs(seed: int = 0) -> dict:
    key = jax.random.key(seed)
    k1, k2 = jax.random.split(key)
    x = jax.random.normal(k1, (4, 8192, 1024), dtype=jnp.float32)
    # Keras Embedding default init: uniform(-0.05, 0.05)
    pos_table = jax.random.uniform(k2, (MAXLEN, EMBED_DIM), minval=-0.05, maxval=0.05, dtype=jnp.float32)
    return {"x": x, "pos_table": pos_table}

def reference(x, pos_table):
    # maxlen = tf.shape(x)[1]; positions = range(0, maxlen)
    seqlen = x.shape[1]
    positions = jnp.arange(0, seqlen, dtype=jnp.int32)
    pos_emb_output = jnp.take(pos_table, positions, axis=0)  # [L, D]
    # broadcast add over batch dim
    return pos_emb_output + x

if __name__ == "__main__":
    import jax
    _d = setup_inputs()
    print(jax.jit(kernel)(*tuple(_d.values())))

</pallas_src>

<mosaic_0001>
#map = affine_map<(d0, d1) -> (0, 0, 0)>
#map1 = affine_map<(d0, d1) -> (0, 0)>
module attributes {stable_mosaic.version = 14 : i64} {
  func.func @_sc_body(%arg0: i32, %arg1: i32, %arg2: memref<4x8192x1024xf32, #tpu.memory_space<hbm>>, %arg3: memref<8192x1024xf32, #tpu.memory_space<hbm>>, %arg4: memref<4x8192x1024xf32, #tpu.memory_space<hbm>>, %arg5: memref<16x1024xf32, #tpu.memory_space<vmem>>, %arg6: memref<16x1024xf32, #tpu.memory_space<vmem>>, %arg7: memref<16x1024xf32, #tpu.memory_space<vmem>>, %arg8: memref<16x1024xf32, #tpu.memory_space<vmem>>, %arg9: memref<16x1024xf32, #tpu.memory_space<vmem>>, %arg10: memref<16x1024xf32, #tpu.memory_space<vmem>>, %arg11: memref<!tpu.dma_semaphore, #tpu.memory_space<semaphore_mem>>, %arg12: memref<!tpu.dma_semaphore, #tpu.memory_space<semaphore_mem>>, %arg13: memref<!tpu.dma_semaphore, #tpu.memory_space<semaphore_mem>>, %arg14: memref<!tpu.dma_semaphore, #tpu.memory_space<semaphore_mem>>, %arg15: memref<!tpu.dma_semaphore, #tpu.memory_space<semaphore_mem>>, %arg16: memref<!tpu.dma_semaphore, #tpu.memory_space<semaphore_mem>>) attributes {dimension_semantics = [#tpu.dimension_semantics<core_parallel>, #tpu.dimension_semantics<subcore_parallel>], iteration_bounds = array<i64: 2, 16>, scalar_prefetch = 0 : i64, scratch_operands = 12 : i64, tpu.core_type = #tpu.core_type<sc_vector_subcore>, window_params = [{transform_indices = #map}, {transform_indices = #map1}, {transform_indices = #map}]} {
    %mul3A = arith.constant 2 : i32
    %mul3A_0 = arith.muli %arg1, %mul3A : i32
    %add3A = arith.addi %mul3A_0, %arg0 : i32
    %jit3A = arith.constant 8 : i32
    %div3A = arith.divsi %add3A, %jit3A : i32
    %sign3A = arith.constant 0 : i32
    %sign3A_1 = arith.cmpi sgt, %add3A, %sign3A : i32
    %sign3A_2 = arith.extui %sign3A_1 : i1 to i32
    %sign3A_3 = arith.constant 0 : i32
    %sign3A_4 = arith.cmpi slt, %add3A, %sign3A_3 : i32
    %sign3A_5 = arith.extui %sign3A_4 : i1 to i32
    %sign3A_6 = arith.subi %sign3A_2, %sign3A_5 : i32
    %sign3A_7 = arith.constant 0 : i32
    %sign3A_8 = arith.cmpi sgt, %jit3A, %sign3A_7 : i32
    %sign3A_9 = arith.extui %sign3A_8 : i1 to i32
    %sign3A_10 = arith.constant 0 : i32
    %sign3A_11 = arith.cmpi slt, %jit3A, %sign3A_10 : i32
    %sign3A_12 = arith.extui %sign3A_11 : i1 to i32
    %sign3A_13 = arith.subi %sign3A_9, %sign3A_12 : i32
    %ne3A = arith.cmpi ne, %sign3A_6, %sign3A_13 : i32
    %rem3A = arith.remsi %add3A, %jit3A : i32
    %ne3A_14 = arith.constant 0 : i32
    %ne3A_15 = arith.cmpi ne, %rem3A, %ne3A_14 : i32
    %and3A = arith.andi %ne3A, %ne3A_15 : i1
    %sub3A = arith.constant 1 : i32
    %sub3A_16 = arith.subi %div3A, %sub3A : i32
    %select_n3A = arith.select %and3A, %sub3A_16, %div3A : i32
    %jit3A_17 = arith.constant 8 : i32
    %eq3A = arith.constant 0 : i32
    %eq3A_18 = arith.cmpi eq, %jit3A_17, %eq3A : i32
    %jit3A_19 = arith.constant 1 : i32
    %select_n3A_20 = arith.select %eq3A_18, %jit3A_19, %jit3A_17 : i32
    %rem3A_21 = arith.remsi %add3A, %select_n3A_20 : i32
    %ne3A_22 = arith.constant 0 : i32
    %ne3A_23 = arith.cmpi ne, %rem3A_21, %ne3A_22 : i32
    %lt3A = arith.constant 0 : i32
    %lt3A_24 = arith.cmpi slt, %rem3A_21, %lt3A : i32
    %lt3A_25 = arith.constant 0 : i32
    %lt3A_26 = arith.cmpi slt, %select_n3A_20, %lt3A_25 : i32
    %ne3A_27 = arith.xori %lt3A_24, %lt3A_26 : i1
    %and3A_28 = arith.andi %ne3A_27, %ne3A_23 : i1
    %add3A_29 = arith.addi %rem3A_21, %select_n3A_20 : i32
    %select_n3A_30 = arith.select %and3A_28, %add3A_29, %rem3A_21 : i32
    %mul3A_31 = arith.constant 1024 : i32
    %mul3A_32 = arith.muli %select_n3A_30, %mul3A_31 : i32
    %add3A_33 = arith.constant 0 : i32
    %add3A_34 = arith.addi %mul3A_32, %add3A_33 : i32
    %dma_start3A = arith.constant 0 : i32
    %dma_start3A_35 = tpu.memref_slice %arg2[%select_n3A, %add3A_34, %dma_start3A] : memref<4x8192x1024xf32, #tpu.memory_space<hbm>> -> memref<1x16x1024xf32, #tpu.memory_space<hbm>>
    %dma_start3A_36 = tpu.memref_squeeze %dma_start3A_35 : memref<1x16x1024xf32, #tpu.memory_space<hbm>> -> memref<16x1024xf32, #tpu.memory_space<hbm>>
    %dma_start3A_37 = arith.constant 0 : i32
    %dma_start3A_38 = tpu.memref_slice %arg2[%select_n3A, %add3A_34, %dma_start3A_37] : memref<4x8192x1024xf32, #tpu.memory_space<hbm>> -> memref<1x16x1024xf32, #tpu.memory_space<hbm>>
    %dma_start3A_39 = tpu.memref_squeeze %dma_start3A_38 : memref<1x16x1024xf32, #tpu.memory_space<hbm>> -> memref<16x1024xf32, #tpu.memory_space<hbm>>
    tpu.enqueue_dma source(%dma_start3A_39 : memref<16x1024xf32, #tpu.memory_space<hbm>>) target(%arg5 : memref<16x1024xf32, #tpu.memory_space<vmem>>) target_semaphore(%arg11 : memref<!tpu.dma_semaphore, #tpu.memory_space<semaphore_mem>>)
    %dma_start3A_40 = arith.constant 0 : i32
    %dma_start3A_41 = tpu.memref_slice %arg3[%add3A_34, %dma_start3A_40] : memref<8192x1024xf32, #tpu.memory_space<hbm>> -> memref<16x1024xf32, #tpu.memory_space<hbm>>
    %dma_start3A_42 = arith.constant 0 : i32
    %dma_start3A_43 = tpu.memref_slice %arg3[%add3A_34, %dma_start3A_42] : memref<8192x1024xf32, #tpu.memory_space<hbm>> -> memref<16x1024xf32, #tpu.memory_space<hbm>>
    tpu.enqueue_dma source(%dma_start3A_43 : memref<16x1024xf32, #tpu.memory_space<hbm>>) target(%arg7 : memref<16x1024xf32, #tpu.memory_space<vmem>>) target_semaphore(%arg13 : memref<!tpu.dma_semaphore, #tpu.memory_space<semaphore_mem>>)
    %add3A_44 = arith.constant 16 : i32
    %add3A_45 = arith.addi %mul3A_32, %add3A_44 : i32
    %dma_start3A_46 = arith.constant 0 : i32
    %dma_start3A_47 = tpu.memref_slice %arg2[%select_n3A, %add3A_45, %dma_start3A_46] : memref<4x8192x1024xf32, #tpu.memory_space<hbm>> -> memref<1x16x1024xf32, #tpu.memory_space<hbm>>
    %dma_start3A_48 = tpu.memref_squeeze %dma_start3A_47 : memref<1x16x1024xf32, #tpu.memory_space<hbm>> -> memref<16x1024xf32, #tpu.memory_space<hbm>>
    %dma_start3A_49 = arith.constant 0 : i32
    %dma_start3A_50 = tpu.memref_slice %arg2[%select_n3A, %add3A_45, %dma_start3A_49] : memref<4x8192x1024xf32, #tpu.memory_space<hbm>> -> memref<1x16x1024xf32, #tpu.memory_space<hbm>>
    %dma_start3A_51 = tpu.memref_squeeze %dma_start3A_50 : memref<1x16x1024xf32, #tpu.memory_space<hbm>> -> memref<16x1024xf32, #tpu.memory_space<hbm>>
    tpu.enqueue_dma source(%dma_start3A_51 : memref<16x1024xf32, #tpu.memory_space<hbm>>) target(%arg6 : memref<16x1024xf32, #tpu.memory_space<vmem>>) target_semaphore(%arg12 : memref<!tpu.dma_semaphore, #tpu.memory_space<semaphore_mem>>)
    %dma_start3A_52 = arith.constant 0 : i32
    %dma_start3A_53 = tpu.memref_slice %arg3[%add3A_45, %dma_start3A_52] : memref<8192x1024xf32, #tpu.memory_space<hbm>> -> memref<16x1024xf32, #tpu.memory_space<hbm>>
    %dma_start3A_54 = arith.constant 0 : i32
    %dma_start3A_55 = tpu.memref_slice %arg3[%add3A_45, %dma_start3A_54] : memref<8192x1024xf32, #tpu.memory_space<hbm>> -> memref<16x1024xf32, #tpu.memory_space<hbm>>
    tpu.enqueue_dma source(%dma_start3A_55 : memref<16x1024xf32, #tpu.memory_space<hbm>>) target(%arg8 : memref<16x1024xf32, #tpu.memory_space<vmem>>) target_semaphore(%arg14 : memref<!tpu.dma_semaphore, #tpu.memory_space<semaphore_mem>>)
    %scan3A = arith.constant 0 : i32
    %scan3A_56 = arith.constant 0 : i32
    %scan3A_57 = arith.constant 32 : i32
    %scan3A_58 = arith.addi %scan3A_56, %scan3A_57 : i32
    %scan3A_59 = arith.constant 1 : i32
    scf.for %scan3A_76 = %scan3A_56 to %scan3A_58 step %scan3A_59  : i32 {
      %mul3A_77 = arith.constant 2 : i32
      %mul3A_78 = arith.muli %mul3A_77, %scan3A_76 : i32
      %add3A_79 = arith.constant 0 : i32
      %add3A_80 = arith.addi %mul3A_78, %add3A_79 : i32
      %mul3A_81 = arith.constant 16 : i32
      %mul3A_82 = arith.muli %add3A_80, %mul3A_81 : i32
      %add3A_83 = arith.addi %mul3A_32, %mul3A_82 : i32
      %dma_wait3A_84 = arith.constant 0 : i32
      %dma_wait3A_85 = tpu.memref_slice %arg2[%select_n3A, %add3A_83, %dma_wait3A_84] : memref<4x8192x1024xf32, #tpu.memory_space<hbm>> -> memref<1x16x1024xf32, #tpu.memory_space<hbm>>
      %dma_wait3A_86 = tpu.memref_squeeze %dma_wait3A_85 : memref<1x16x1024xf32, #tpu.memory_space<hbm>> -> memref<16x1024xf32, #tpu.memory_space<hbm>>
      %dma_wait3A_87 = arith.constant 0 : i32
      %dma_wait3A_88 = tpu.memref_slice %arg2[%select_n3A, %add3A_83, %dma_wait3A_87] : memref<4x8192x1024xf32, #tpu.memory_space<hbm>> -> memref<1x16x1024xf32, #tpu.memory_space<hbm>>
      %dma_wait3A_89 = tpu.memref_squeeze %dma_wait3A_88 : memref<1x16x1024xf32, #tpu.memory_space<hbm>> -> memref<16x1024xf32, #tpu.memory_space<hbm>>
      tpu.wait_dma2 semaphore(%arg11 : memref<!tpu.dma_semaphore, #tpu.memory_space<semaphore_mem>>) src(%dma_wait3A_89 : memref<16x1024xf32, #tpu.memory_space<hbm>>) dst(%arg5 : memref<16x1024xf32, #tpu.memory_space<vmem>>)
      %dma_wait3A_90 = arith.constant 0 : i32
      %dma_wait3A_91 = tpu.memref_slice %arg3[%add3A_83, %dma_wait3A_90] : memref<8192x1024xf32, #tpu.memory_space<hbm>> -> memref<16x1024xf32, #tpu.memory_space<hbm>>
      %dma_wait3A_92 = arith.constant 0 : i32
      %dma_wait3A_93 = tpu.memref_slice %arg3[%add3A_83, %dma_wait3A_92] : memref<8192x1024xf32, #tpu.memory_space<hbm>> -> memref<16x1024xf32, #tpu.memory_space<hbm>>
      tpu.wait_dma2 semaphore(%arg13 : memref<!tpu.dma_semaphore, #tpu.memory_space<semaphore_mem>>) src(%dma_wait3A_93 : memref<16x1024xf32, #tpu.memory_space<hbm>>) dst(%arg7 : memref<16x1024xf32, #tpu.memory_space<vmem>>)
      %ge3A = arith.constant 1 : i32
      %ge3A_94 = arith.cmpi sge, %scan3A_76, %ge3A : i32
      %convert_element_type3A = arith.extui %ge3A_94 : i1 to i32
      %cond3A = arith.constant 0 : i32
      %cond3A_95 = arith.cmpi ne, %convert_element_type3A, %cond3A : i32
      scf.if %cond3A_95 {
        %sub3A_150 = arith.constant 2 : i32
        %sub3A_151 = arith.subi %add3A_80, %sub3A_150 : i32
        %mul3A_152 = arith.constant 16 : i32
        %mul3A_153 = arith.muli %sub3A_151, %mul3A_152 : i32
        %add3A_154 = arith.addi %mul3A_32, %mul3A_153 : i32
        %dma_wait3A_155 = arith.constant 0 : i32
        %dma_wait3A_156 = tpu.memref_slice %arg4[%select_n3A, %add3A_154, %dma_wait3A_155] : memref<4x8192x1024xf32, #tpu.memory_space<hbm>> -> memref<1x16x1024xf32, #tpu.memory_space<hbm>>
        %dma_wait3A_157 = tpu.memref_squeeze %dma_wait3A_156 : memref<1x16x1024xf32, #tpu.memory_space<hbm>> -> memref<16x1024xf32, #tpu.memory_space<hbm>>
        %dma_wait3A_158 = arith.constant 0 : i32
        %dma_wait3A_159 = tpu.memref_slice %arg4[%select_n3A, %add3A_154, %dma_wait3A_158] : memref<4x8192x1024xf32, #tpu.memory_space<hbm>> -> memref<1x16x1024xf32, #tpu.memory_space<hbm>>
        %dma_wait3A_160 = tpu.memref_squeeze %dma_wait3A_159 : memref<1x16x1024xf32, #tpu.memory_space<hbm>> -> memref<16x1024xf32, #tpu.memory_space<hbm>>
        tpu.wait_dma2 semaphore(%arg15 : memref<!tpu.dma_semaphore, #tpu.memory_space<semaphore_mem>>) src(%arg9 : memref<16x1024xf32, #tpu.memory_space<vmem>>) dst(%dma_wait3A_160 : memref<16x1024xf32, #tpu.memory_space<hbm>>)
      } else {
      }
      %parallel_loop3A = arith.constant 0 : i32
      %parallel_loop3A_96 = arith.constant 1024 : i32
      %parallel_loop3A_97 = arith.constant 1 : i32
      scf.for %parallel_loop3A_150 = %parallel_loop3A to %parallel_loop3A_96 step %parallel_loop3A_97  : i32 {
        %parallel_loop3A_151 = arith.constant 6 : i32
        %parallel_loop3A_152 = arith.shrsi %parallel_loop3A_150, %parallel_loop3A_151 : i32
        %parallel_loop3A_153 = arith.constant 63 : i32
        %parallel_loop3A_154 = arith.andi %parallel_loop3A_150, %parallel_loop3A_153 : i32
        %parallel_loop3A_155 = arith.constant 16 : i32
        %parallel_loop3A_156 = arith.muli %parallel_loop3A_154, %parallel_loop3A_155 : i32
        %parallel_loop3A_157 = arith.index_cast %parallel_loop3A_152 : i32 to index
        %parallel_loop3A_158 = arith.index_cast %parallel_loop3A_156 : i32 to index
        %parallel_loop3A_159 = tpu.vector_load %arg5[%parallel_loop3A_157, %parallel_loop3A_158] {strides = array<i32>} : memref<16x1024xf32, #tpu.memory_space<vmem>>, vector<1x16xf32>,
        %parallel_loop3A_160 = vector.shape_cast %parallel_loop3A_159 : vector<1x16xf32> to vector<16xf32>
        %parallel_loop3A_161 = arith.index_cast %parallel_loop3A_152 : i32 to index
        %parallel_loop3A_162 = arith.index_cast %parallel_loop3A_156 : i32 to index
        %parallel_loop3A_163 = tpu.vector_load %arg7[%parallel_loop3A_161, %parallel_loop3A_162] {strides = array<i32>} : memref<16x1024xf32, #tpu.memory_space<vmem>>, vector<1x16xf32>,
        %parallel_loop3A_164 = vector.shape_cast %parallel_loop3A_163 : vector<1x16xf32> to vector<16xf32>
        %parallel_loop3A_165 = arith.addf %parallel_loop3A_160, %parallel_loop3A_164 : vector<16xf32>
        %parallel_loop3A_166 = arith.index_cast %parallel_loop3A_152 : i32 to index
        %parallel_loop3A_167 = arith.index_cast %parallel_loop3A_156 : i32 to index
        %parallel_loop3A_168 = tpu.vector_load %arg9[%parallel_loop3A_166, %parallel_loop3A_167] {strides = array<i32>} : memref<16x1024xf32, #tpu.memory_space<vmem>>, vector<1x16xf32>,
        %parallel_loop3A_169 = vector.shape_cast %parallel_loop3A_168 : vector<1x16xf32> to vector<16xf32>
        %parallel_loop3A_170 = vector.shape_cast %parallel_loop3A_165 : vector<16xf32> to vector<1x16xf32>
        tpu.vector_store %arg9[%parallel_loop3A_166, %parallel_loop3A_167], %parallel_loop3A_170 {strides = array<i32>} : memref<16x1024xf32, #tpu.memory_space<vmem>>, vector<1x16xf32>,
      } {sc.loop_unroll_factor = 16 : i64, sc.parallel_access}
      %mul3A_98 = arith.constant 16 : i32
      %mul3A_99 = arith.muli %add3A_80, %mul3A_98 : i32
      %add3A_100 = arith.addi %mul3A_32, %mul3A_99 : i32
      %dma_start3A_101 = arith.constant 0 : i32
      %dma_start3A_102 = tpu.memref_slice %arg4[%select_n3A, %add3A_100, %dma_start3A_101] : memref<4x8192x1024xf32, #tpu.memory_space<hbm>> -> memref<1x16x1024xf32, #tpu.memory_space<hbm>>
      %dma_start3A_103 = tpu.memref_squeeze %dma_start3A_102 : memref<1x16x1024xf32, #tpu.memory_space<hbm>> -> memref<16x1024xf32, #tpu.memory_space<hbm>>
      %dma_start3A_104 = arith.constant 0 : i32
      %dma_start3A_105 = tpu.memref_slice %arg4[%select_n3A, %add3A_100, %dma_start3A_104] : memref<4x8192x1024xf32, #tpu.memory_space<hbm>> -> memref<1x16x1024xf32, #tpu.memory_space<hbm>>
      %dma_start3A_106 = tpu.memref_squeeze %dma_start3A_105 : memref<1x16x1024xf32, #tpu.memory_space<hbm>> -> memref<16x1024xf32, #tpu.memory_space<hbm>>
      tpu.enqueue_dma source(%arg9 : memref<16x1024xf32, #tpu.memory_space<vmem>>) target(%dma_start3A_106 : memref<16x1024xf32, #tpu.memory_space<hbm>>) target_semaphore(%arg15 : memref<!tpu.dma_semaphore, #tpu.memory_space<semaphore_mem>>)
      %le3A = arith.constant 30 : i32
      %le3A_107 = arith.cmpi sle, %scan3A_76, %le3A : i32
      %convert_element_type3A_108 = arith.extui %le3A_107 : i1 to i32
      %cond3A_109 = arith.constant 0 : i32
      %cond3A_110 = arith.cmpi ne, %convert_element_type3A_108, %cond3A_109 : i32
      scf.if %cond3A_110 {
        %add3A_150 = arith.constant 2 : i32
        %add3A_151 = arith.addi %add3A_80, %add3A_150 : i32
        %mul3A_152 = arith.constant 16 : i32
        %mul3A_153 = arith.muli %add3A_151, %mul3A_152 : i32
        %add3A_154 = arith.addi %mul3A_32, %mul3A_153 : i32
        %dma_start3A_155 = arith.constant 0 : i32
        %dma_start3A_156 = tpu.memref_slice %arg2[%select_n3A, %add3A_154, %dma_start3A_155] : memref<4x8192x1024xf32, #tpu.memory_space<hbm>> -> memref<1x16x1024xf32, #tpu.memory_space<hbm>>
        %dma_start3A_157 = tpu.memref_squeeze %dma_start3A_156 : memref<1x16x1024xf32, #tpu.memory_space<hbm>> -> memref<16x1024xf32, #tpu.memory_space<hbm>>
        %dma_start3A_158 = arith.constant 0 : i32
        %dma_start3A_159 = tpu.memref_slice %arg2[%select_n3A, %add3A_154, %dma_start3A_158] : memref<4x8192x1024xf32, #tpu.memory_space<hbm>> -> memref<1x16x1024xf32, #tpu.memory_space<hbm>>
        %dma_start3A_160 = tpu.memref_squeeze %dma_start3A_159 : memref<1x16x1024xf32, #tpu.memory_space<hbm>> -> memref<16x1024xf32, #tpu.memory_space<hbm>>
        tpu.enqueue_dma source(%dma_start3A_160 : memref<16x1024xf32, #tpu.memory_space<hbm>>) target(%arg5 : memref<16x1024xf32, #tpu.memory_space<vmem>>) target_semaphore(%arg11 : memref<!tpu.dma_semaphore, #tpu.memory_space<semaphore_mem>>)
        %dma_start3A_161 = arith.constant 0 : i32
        %dma_start3A_162 = tpu.memref_slice %arg3[%add3A_154, %dma_start3A_161] : memref<8192x1024xf32, #tpu.memory_space<hbm>> -> memref<16x1024xf32, #tpu.memory_space<hbm>>
        %dma_start3A_163 = arith.constant 0 : i32
        %dma_start3A_164 = tpu.memref_slice %arg3[%add3A_154, %dma_start3A_163] : memref<8192x1024xf32, #tpu.memory_space<hbm>> -> memref<16x1024xf32, #tpu.memory_space<hbm>>
        tpu.enqueue_dma source(%dma_start3A_164 : memref<16x1024xf32, #tpu.memory_space<hbm>>) target(%arg7 : memref<16x1024xf32, #tpu.memory_space<vmem>>) target_semaphore(%arg13 : memref<!tpu.dma_semaphore, #tpu.memory_space<semaphore_mem>>)
      } else {
      }
      %mul3A_111 = arith.constant 2 : i32
      %mul3A_112 = arith.muli %mul3A_111, %scan3A_76 : i32
      %add3A_113 = arith.constant 1 : i32
      %add3A_114 = arith.addi %mul3A_112, %add3A_113 : i32
      %mul3A_115 = arith.constant 16 : i32
      %mul3A_116 = arith.muli %add3A_114, %mul3A_115 : i32
      %add3A_117 = arith.addi %mul3A_32, %mul3A_116 : i32
      %dma_wait3A_118 = arith.constant 0 : i32
      %dma_wait3A_119 = tpu.memref_slice %arg2[%select_n3A, %add3A_117, %dma_wait3A_118] : memref<4x8192x1024xf32, #tpu.memory_space<hbm>> -> memref<1x16x1024xf32, #tpu.memory_space<hbm>>
      %dma_wait3A_120 = tpu.memref_squeeze %dma_wait3A_119 : memref<1x16x1024xf32, #tpu.memory_space<hbm>> -> memref<16x1024xf32, #tpu.memory_space<hbm>>
      %dma_wait3A_121 = arith.constant 0 : i32
      %dma_wait3A_122 = tpu.memref_slice %arg2[%select_n3A, %add3A_117, %dma_wait3A_121] : memref<4x8192x1024xf32, #tpu.memory_space<hbm>> -> memref<1x16x1024xf32, #tpu.memory_space<hbm>>
      %dma_wait3A_123 = tpu.memref_squeeze %dma_wait3A_122 : memref<1x16x1024xf32, #tpu.memory_space<hbm>> -> memref<16x1024xf32, #tpu.memory_space<hbm>>
      tpu.wait_dma2 semaphore(%arg12 : memref<!tpu.dma_semaphore, #tpu.memory_space<semaphore_mem>>) src(%dma_wait3A_123 : memref<16x1024xf32, #tpu.memory_space<hbm>>) dst(%arg6 : memref<16x1024xf32, #tpu.memory_space<vmem>>)
      %dma_wait3A_124 = arith.constant 0 : i32
      %dma_wait3A_125 = tpu.memref_slice %arg3[%add3A_117, %dma_wait3A_124] : memref<8192x1024xf32, #tpu.memory_space<hbm>> -> memref<16x1024xf32, #tpu.memory_space<hbm>>
      %dma_wait3A_126 = arith.constant 0 : i32
      %dma_wait3A_127 = tpu.memref_slice %arg3[%add3A_117, %dma_wait3A_126] : memref<8192x1024xf32, #tpu.memory_space<hbm>> -> memref<16x1024xf32, #tpu.memory_space<hbm>>
      tpu.wait_dma2 semaphore(%arg14 : memref<!tpu.dma_semaphore, #tpu.memory_space<semaphore_mem>>) src(%dma_wait3A_127 : memref<16x1024xf32, #tpu.memory_space<hbm>>) dst(%arg8 : memref<16x1024xf32, #tpu.memory_space<vmem>>)
      %ge3A_128 = arith.constant 1 : i32
      %ge3A_129 = arith.cmpi sge, %scan3A_76, %ge3A_128 : i32
      %convert_element_type3A_130 = arith.extui %ge3A_129 : i1 to i32
      %cond3A_131 = arith.constant 0 : i32
      %cond3A_132 = arith.cmpi ne, %convert_element_type3A_130, %cond3A_131 : i32
      scf.if %cond3A_132 {
        %sub3A_150 = arith.constant 2 : i32
        %sub3A_151 = arith.subi %add3A_114, %sub3A_150 : i32
        %mul3A_152 = arith.constant 16 : i32
        %mul3A_153 = arith.muli %sub3A_151, %mul3A_152 : i32
        %add3A_154 = arith.addi %mul3A_32, %mul3A_153 : i32
        %dma_wait3A_155 = arith.constant 0 : i32
        %dma_wait3A_156 = tpu.memref_slice %arg4[%select_n3A, %add3A_154, %dma_wait3A_155] : memref<4x8192x1024xf32, #tpu.memory_space<hbm>> -> memref<1x16x1024xf32, #tpu.memory_space<hbm>>
        %dma_wait3A_157 = tpu.memref_squeeze %dma_wait3A_156 : memref<1x16x1024xf32, #tpu.memory_space<hbm>> -> memref<16x1024xf32, #tpu.memory_space<hbm>>
        %dma_wait3A_158 = arith.constant 0 : i32
        %dma_wait3A_159 = tpu.memref_slice %arg4[%select_n3A, %add3A_154, %dma_wait3A_158] : memref<4x8192x1024xf32, #tpu.memory_space<hbm>> -> memref<1x16x1024xf32, #tpu.memory_space<hbm>>
        %dma_wait3A_160 = tpu.memref_squeeze %dma_wait3A_159 : memref<1x16x1024xf32, #tpu.memory_space<hbm>> -> memref<16x1024xf32, #tpu.memory_space<hbm>>
        tpu.wait_dma2 semaphore(%arg16 : memref<!tpu.dma_semaphore, #tpu.memory_space<semaphore_mem>>) src(%arg10 : memref<16x1024xf32, #tpu.memory_space<vmem>>) dst(%dma_wait3A_160 : memref<16x1024xf32, #tpu.memory_space<hbm>>)
      } else {
      }
      %parallel_loop3A_133 = arith.constant 0 : i32
      %parallel_loop3A_134 = arith.constant 1024 : i32
      %parallel_loop3A_135 = arith.constant 1 : i32
      scf.for %parallel_loop3A_150 = %parallel_loop3A_133 to %parallel_loop3A_134 step %parallel_loop3A_135  : i32 {
        %parallel_loop3A_151 = arith.constant 6 : i32
        %parallel_loop3A_152 = arith.shrsi %parallel_loop3A_150, %parallel_loop3A_151 : i32
        %parallel_loop3A_153 = arith.constant 63 : i32
        %parallel_loop3A_154 = arith.andi %parallel_loop3A_150, %parallel_loop3A_153 : i32
        %parallel_loop3A_155 = arith.constant 16 : i32
        %parallel_loop3A_156 = arith.muli %parallel_loop3A_154, %parallel_loop3A_155 : i32
        %parallel_loop3A_157 = arith.index_cast %parallel_loop3A_152 : i32 to index
        %parallel_loop3A_158 = arith.index_cast %parallel_loop3A_156 : i32 to index
        %parallel_loop3A_159 = tpu.vector_load %arg6[%parallel_loop3A_157, %parallel_loop3A_158] {strides = array<i32>} : memref<16x1024xf32, #tpu.memory_space<vmem>>, vector<1x16xf32>,
        %parallel_loop3A_160 = vector.shape_cast %parallel_loop3A_159 : vector<1x16xf32> to vector<16xf32>
        %parallel_loop3A_161 = arith.index_cast %parallel_loop3A_152 : i32 to index
        %parallel_loop3A_162 = arith.index_cast %parallel_loop3A_156 : i32 to index
        %parallel_loop3A_163 = tpu.vector_load %arg8[%parallel_loop3A_161, %parallel_loop3A_162] {strides = array<i32>} : memref<16x1024xf32, #tpu.memory_space<vmem>>, vector<1x16xf32>,
        %parallel_loop3A_164 = vector.shape_cast %parallel_loop3A_163 : vector<1x16xf32> to vector<16xf32>
        %parallel_loop3A_165 = arith.addf %parallel_loop3A_160, %parallel_loop3A_164 : vector<16xf32>
        %parallel_loop3A_166 = arith.index_cast %parallel_loop3A_152 : i32 to index
        %parallel_loop3A_167 = arith.index_cast %parallel_loop3A_156 : i32 to index
        %parallel_loop3A_168 = tpu.vector_load %arg10[%parallel_loop3A_166, %parallel_loop3A_167] {strides = array<i32>} : memref<16x1024xf32, #tpu.memory_space<vmem>>, vector<1x16xf32>,
        %parallel_loop3A_169 = vector.shape_cast %parallel_loop3A_168 : vector<1x16xf32> to vector<16xf32>
        %parallel_loop3A_170 = vector.shape_cast %parallel_loop3A_165 : vector<16xf32> to vector<1x16xf32>
        tpu.vector_store %arg10[%parallel_loop3A_166, %parallel_loop3A_167], %parallel_loop3A_170 {strides = array<i32>} : memref<16x1024xf32, #tpu.memory_space<vmem>>, vector<1x16xf32>,
      } {sc.loop_unroll_factor = 16 : i64, sc.parallel_access}
      %mul3A_136 = arith.constant 16 : i32
      %mul3A_137 = arith.muli %add3A_114, %mul3A_136 : i32
      %add3A_138 = arith.addi %mul3A_32, %mul3A_137 : i32
      %dma_start3A_139 = arith.constant 0 : i32
      %dma_start3A_140 = tpu.memref_slice %arg4[%select_n3A, %add3A_138, %dma_start3A_139] : memref<4x8192x1024xf32, #tpu.memory_space<hbm>> -> memref<1x16x1024xf32, #tpu.memory_space<hbm>>
      %dma_start3A_141 = tpu.memref_squeeze %dma_start3A_140 : memref<1x16x1024xf32, #tpu.memory_space<hbm>> -> memref<16x1024xf32, #tpu.memory_space<hbm>>
      %dma_start3A_142 = arith.constant 0 : i32
      %dma_start3A_143 = tpu.memref_slice %arg4[%select_n3A, %add3A_138, %dma_start3A_142] : memref<4x8192x1024xf32, #tpu.memory_space<hbm>> -> memref<1x16x1024xf32, #tpu.memory_space<hbm>>
      %dma_start3A_144 = tpu.memref_squeeze %dma_start3A_143 : memref<1x16x1024xf32, #tpu.memory_space<hbm>> -> memref<16x1024xf32, #tpu.memory_space<hbm>>
      tpu.enqueue_dma source(%arg10 : memref<16x1024xf32, #tpu.memory_space<vmem>>) target(%dma_start3A_144 : memref<16x1024xf32, #tpu.memory_space<hbm>>) target_semaphore(%arg16 : memref<!tpu.dma_semaphore, #tpu.memory_space<semaphore_mem>>)
      %le3A_145 = arith.constant 30 : i32
      %le3A_146 = arith.cmpi sle, %scan3A_76, %le3A_145 : i32
      %convert_element_type3A_147 = arith.extui %le3A_146 : i1 to i32
      %cond3A_148 = arith.constant 0 : i32
      %cond3A_149 = arith.cmpi ne, %convert_element_type3A_147, %cond3A_148 : i32
      scf.if %cond3A_149 {
        %add3A_150 = arith.constant 2 : i32
        %add3A_151 = arith.addi %add3A_114, %add3A_150 : i32
        %mul3A_152 = arith.constant 16 : i32
        %mul3A_153 = arith.muli %add3A_151, %mul3A_152 : i32
        %add3A_154 = arith.addi %mul3A_32, %mul3A_153 : i32
        %dma_start3A_155 = arith.constant 0 : i32
        %dma_start3A_156 = tpu.memref_slice %arg2[%select_n3A, %add3A_154, %dma_start3A_155] : memref<4x8192x1024xf32, #tpu.memory_space<hbm>> -> memref<1x16x1024xf32, #tpu.memory_space<hbm>>
        %dma_start3A_157 = tpu.memref_squeeze %dma_start3A_156 : memref<1x16x1024xf32, #tpu.memory_space<hbm>> -> memref<16x1024xf32, #tpu.memory_space<hbm>>
        %dma_start3A_158 = arith.constant 0 : i32
        %dma_start3A_159 = tpu.memref_slice %arg2[%select_n3A, %add3A_154, %dma_start3A_158] : memref<4x8192x1024xf32, #tpu.memory_space<hbm>> -> memref<1x16x1024xf32, #tpu.memory_space<hbm>>
        %dma_start3A_160 = tpu.memref_squeeze %dma_start3A_159 : memref<1x16x1024xf32, #tpu.memory_space<hbm>> -> memref<16x1024xf32, #tpu.memory_space<hbm>>
        tpu.enqueue_dma source(%dma_start3A_160 : memref<16x1024xf32, #tpu.memory_space<hbm>>) target(%arg6 : memref<16x1024xf32, #tpu.memory_space<vmem>>) target_semaphore(%arg12 : memref<!tpu.dma_semaphore, #tpu.memory_space<semaphore_mem>>)
        %dma_start3A_161 = arith.constant 0 : i32
        %dma_start3A_162 = tpu.memref_slice %arg3[%add3A_154, %dma_start3A_161] : memref<8192x1024xf32, #tpu.memory_space<hbm>> -> memref<16x1024xf32, #tpu.memory_space<hbm>>
        %dma_start3A_163 = arith.constant 0 : i32
        %dma_start3A_164 = tpu.memref_slice %arg3[%add3A_154, %dma_start3A_163] : memref<8192x1024xf32, #tpu.memory_space<hbm>> -> memref<16x1024xf32, #tpu.memory_space<hbm>>
        tpu.enqueue_dma source(%dma_start3A_164 : memref<16x1024xf32, #tpu.memory_space<hbm>>) target(%arg8 : memref<16x1024xf32, #tpu.memory_space<vmem>>) target_semaphore(%arg14 : memref<!tpu.dma_semaphore, #tpu.memory_space<semaphore_mem>>)
      } else {
      }
    }
    %scan3A_60 = arith.constant 32 : i32
    %add3A_61 = arith.constant 992 : i32
    %add3A_62 = arith.addi %mul3A_32, %add3A_61 : i32
    %dma_wait3A = arith.constant 0 : i32
    %dma_wait3A_63 = tpu.memref_slice %arg4[%select_n3A, %add3A_62, %dma_wait3A] : memref<4x8192x1024xf32, #tpu.memory_space<hbm>> -> memref<1x16x1024xf32, #tpu.memory_space<hbm>>
    %dma_wait3A_64 = tpu.memref_squeeze %dma_wait3A_63 : memref<1x16x1024xf32, #tpu.memory_space<hbm>> -> memref<16x1024xf32, #tpu.memory_space<hbm>>
    %dma_wait3A_65 = arith.constant 0 : i32
    %dma_wait3A_66 = tpu.memref_slice %arg4[%select_n3A, %add3A_62, %dma_wait3A_65] : memref<4x8192x1024xf32, #tpu.memory_space<hbm>> -> memref<1x16x1024xf32, #tpu.memory_space<hbm>>
    %dma_wait3A_67 = tpu.memref_squeeze %dma_wait3A_66 : memref<1x16x1024xf32, #tpu.memory_space<hbm>> -> memref<16x1024xf32, #tpu.memory_space<hbm>>
    tpu.wait_dma2 semaphore(%arg15 : memref<!tpu.dma_semaphore, #tpu.memory_space<semaphore_mem>>) src(%arg9 : memref<16x1024xf32, #tpu.memory_space<vmem>>) dst(%dma_wait3A_67 : memref<16x1024xf32, #tpu.memory_space<hbm>>)
    %add3A_68 = arith.constant 1008 : i32
    %add3A_69 = arith.addi %mul3A_32, %add3A_68 : i32
    %dma_wait3A_70 = arith.constant 0 : i32
    %dma_wait3A_71 = tpu.memref_slice %arg4[%select_n3A, %add3A_69, %dma_wait3A_70] : memref<4x8192x1024xf32, #tpu.memory_space<hbm>> -> memref<1x16x1024xf32, #tpu.memory_space<hbm>>
    %dma_wait3A_72 = tpu.memref_squeeze %dma_wait3A_71 : memref<1x16x1024xf32, #tpu.memory_space<hbm>> -> memref<16x1024xf32, #tpu.memory_space<hbm>>
    %dma_wait3A_73 = arith.constant 0 : i32
    %dma_wait3A_74 = tpu.memref_slice %arg4[%select_n3A, %add3A_69, %dma_wait3A_73] : memref<4x8192x1024xf32, #tpu.memory_space<hbm>> -> memref<1x16x1024xf32, #tpu.memory_space<hbm>>
    %dma_wait3A_75 = tpu.memref_squeeze %dma_wait3A_74 : memref<1x16x1024xf32, #tpu.memory_space<hbm>> -> memref<16x1024xf32, #tpu.memory_space<hbm>>
    tpu.wait_dma2 semaphore(%arg16 : memref<!tpu.dma_semaphore, #tpu.memory_space<semaphore_mem>>) src(%arg10 : memref<16x1024xf32, #tpu.memory_space<vmem>>) dst(%dma_wait3A_75 : memref<16x1024xf32, #tpu.memory_space<hbm>>)
    return
  }
}

</mosaic_0001>

<sc_bundles>
// kernel: kernel.3.cloned.1.call-start
scs
__scs_entry_jumppad:
0x0: {  	(pc) =	sbr.rel $0x88, $3  }
0x1: {  	(tag) =	ssettag $0x0;
	lr =	simm.s32 $0x1  }
0x2: {  	[smem:$0x3F9F] =	sst lr;
	_ =	strace $0xD0000000  }
0x3: {  	_ = 	snop  }
0x4: {  	_ = 	snop  }
0x5: {  	_ = 	snop  }
0x6: {  	_ = 	snop  }
0x7: {  	_ = 	snop  }
__scs_overlays_trampoline_lowered:
0x8: {  	[smem:$0x3FAE] =	sst s0  }
0x9: {  	[smem:$0x3FAF] =	sst s1  }
0xa: {  	[smem:$0x3FB0] =	sst s2  }
0xb: {  	[smem:$0x3FB1] =	sst s3  }
0xc: {  	[smem:$0x3FB2] =	sst s4  }
0xd: {  	[smem:$0x3FB3] =	sst s5  }
0xe: {  	[smem:$0x3FB4] =	sst s6  }
0xf: {  	[smem:$0x3FB5] =	sst s7  }
0x10: {  	[smem:$0x3FB6] =	sst s8  }
0x11: {  	[smem:$0x3FB7] =	sst s9;
	s0 =	simm.s32 @!p0 $0x0  }
0x12: {  	s1 =	sld [smem:$0x3F9D];
	s0 =	simm.s32 @p0 $0x1  }
0x13: {  	[smem:$0x3FB8] =	sst s0;
	s0 =	simm.s32 @!p1 $0x0  }
0x14: {  	s2 =	sld [smem:$0x3F9C];
	s0 =	simm.s32 @p1 $0x1  }
0x15: {  	[smem:$0x3FB9] =	sst s0;
	s0 =	simm.s32 @!p2 $0x0  }
0x16: {  	s3 =	sld [smem:$0x3FDB];
	s0 =	simm.s32 @p2 $0x1  }
0x17: {  	s4 =	simm.s32 $0x1BF5;
	[smem:$0x3FBB] =	sst s0  }
0x18: {  	s0 =	sld [smem:$0x3F9E];
	_ =	swait.ge [sflag:s4], $0x0  }
0x19: {  	s7 =	sld [smem:$0x3F9F]  }
0x1a: {  	s8 =	sadd.s32 $0xFFFFE003, lr  }
0x1b: {  	s9 =	sadd.s32 $0xFFFFFEF7, lr;
	s5 =	simm.s32 $0xFFFFFFFF;
	p2 =	slt.u32 s8, $0xFFFFF086  }
0x1c: {  	p1 =	slt.u32 s9, $0xF7A;
	s5 =	simm.s32 @!p2 $0x0  }
0x1d: {  	s5 =	simm.s32 @p1 $0x1;
	p0 =	seq.s32 s7, s2  }
0x1e: {  	s7 =	smul.u32 @!p0 $0xF7A, s2;
	p2 =	seq.s32 @!p0 s5, $0x0  }
0x1f: {  	s9 =	smul.u32 $0xF7A, s1;
	s8 =	simm.s32 @!p0 $0x1BF5;
	p2 =	por !p2, p0  }
0x20: {  	[sflag:s8] =	ssyncset.s32 @!p0 $0xFFFFF086;
	s6 =	sadd.s32 @!p0 s3, s7;
	s7 =	simm.s32 @!p0 $0x108  }
0x21: {  	s3 =	sadd.s32 s3, s9;
	s6 =	sadd.s32 @!p0 $0x88, s6;
	s7 =	simm.s32 @p2 $0x1082  }
0x22: {  	[simem:s7], [sflag:s8] =	dma.local @!p0 [hbm:s6], $0xF7A  }
0x23: {  	s9 =	sor.u32 $0xD0000000, s2;
	s6 =	simm.s32 $0x108;
	_ =	swait.ge @!p0 [sflag:s8], $0x0  }
0x24: {  	s3 =	sadd.s32 $0x88, s3;
	s6 =	simm.s32 @!p1 $0x1082;
	[sflag:s4] =	ssyncset.s32 $0xFFFFF086  }
0x25: {  	[simem:s6], [sflag:s4] =	dma.local [hbm:s3], $0xF7A  }
0x26: {  	[smem:$0x3F9F] =	sst s1;
	(tag) =	ssettag s2;
	_ =	strace s9  }
0x27: {  	s1 =	sld [smem:$0x3FAF]  }
0x28: {  	s2 =	sld [smem:$0x3FB0]  }
0x29: {  	s4 =	sld [smem:$0x3FB2]  }
0x2a: {  	p0 =	seq.s32 s5, $0x0;
	s5 =	sld [smem:$0x3FB3]  }
0x2b: {  	s6 =	sld [smem:$0x3FB4]  }
0x2c: {  	s7 =	sld [smem:$0x3FB5]  }
0x2d: {  	s3 =	simm.s32 $0x108;
	s8 =	sld [smem:$0x3FB6]  }
0x2e: {  	s3 =	simm.s32 @!p0 $0x1082;
	s9 =	sld [smem:$0x3FB7]  }
0x2f: {  	lr =	sadd.s32 s0, s3;
	s0 =	sld [smem:$0x3FAE]  }
0x30: {  	s3 =	sld [smem:$0x3FB1]  }
0x31: {  	[smem:$0x3FBA] =	sst s10  }
0x32: {  	s10 =	sld [smem:$0x3FB8];
	_ =	sdelay $0x3  }
0x33: {  	p0 =	seq.s32 s10, $0x1;
	s10 =	sld [smem:$0x3FBA];
	_ =	sdelay $0x3  }
0x34: {  	[smem:$0x3FBA] =	sst s10  }
0x35: {  	s10 =	sld [smem:$0x3FB9];
	_ =	sdelay $0x3  }
0x36: {  	p1 =	seq.s32 s10, $0x1;
	s10 =	sld [smem:$0x3FBA];
	_ =	sdelay $0x3  }
0x37: {  	[smem:$0x3FBA] =	sst s10  }
0x38: {  	s10 =	sld [smem:$0x3FBB]  }
0x39: {  	_ = 	snop;
	(pc) =	sbr.ind lr, $3  }
0x3a: {  	_ = 	snop  }
0x3b: {  	_ = 	snop  }
0x3c: {  	p2 =	seq.s32 s10, $0x1;
	s10 =	sld [smem:$0x3FBA]  }
0x3d: {  	_ =	shalt  }
0x3e: {  	_ =	shalt  }
0x3f: {  	_ =	shalt  }
0x40: {  	_ =	shalt  }
0x41: {  	_ =	shalt  }
0x42: {  	_ =	shalt  }
0x43: {  	_ =	shalt  }
0x44: {  	_ =	shalt  }
0x45: {  	_ =	shalt  }
0x46: {  	_ =	shalt  }
0x47: {  	_ =	shalt  }
0x48: {  	_ =	shalt  }
0x49: {  	_ =	shalt  }
0x4a: {  	_ =	shalt  }
0x4b: {  	_ =	shalt  }
0x4c: {  	_ =	shalt  }
0x4d: {  	_ =	shalt  }
0x4e: {  	_ =	shalt  }
0x4f: {  	_ =	shalt  }
0x50: {  	_ =	shalt  }
0x51: {  	_ =	shalt  }
0x52: {  	_ =	shalt  }
0x53: {  	_ =	shalt  }
0x54: {  	_ =	shalt  }
0x55: {  	_ =	shalt  }
0x56: {  	_ =	shalt  }
0x57: {  	_ =	shalt  }
0x58: {  	_ =	shalt  }
0x59: {  	_ =	shalt  }
0x5a: {  	_ =	shalt  }
0x5b: {  	_ =	shalt  }
0x5c: {  	_ =	shalt  }
0x5d: {  	_ =	shalt  }
0x5e: {  	_ =	shalt  }
0x5f: {  	_ =	shalt  }
0x60: {  	_ =	shalt  }
0x61: {  	_ =	shalt  }
0x62: {  	_ =	shalt  }
0x63: {  	_ =	shalt  }
0x64: {  	_ =	shalt  }
0x65: {  	_ =	shalt  }
0x66: {  	_ =	shalt  }
0x67: {  	_ =	shalt  }
0x68: {  	_ =	shalt  }
0x69: {  	_ =	shalt  }
0x6a: {  	_ =	shalt  }
0x6b: {  	_ =	shalt  }
0x6c: {  	_ =	shalt  }
0x6d: {  	_ =	shalt  }
0x6e: {  	_ =	shalt  }
0x6f: {  	_ =	shalt  }
0x70: {  	_ =	shalt  }
0x71: {  	_ =	shalt  }
0x72: {  	_ =	shalt  }
0x73: {  	_ =	shalt  }
0x74: {  	_ =	shalt  }
0x75: {  	_ =	shalt  }
0x76: {  	_ =	shalt  }
0x77: {  	_ =	shalt  }
0x78: {  	_ =	shalt  }
0x79: {  	_ =	shalt  }
0x7a: {  	_ =	shalt  }
0x7b: {  	_ =	shalt  }
0x7c: {  	_ =	shalt  }
0x7d: {  	_ =	shalt  }
0x7e: {  	_ =	shalt  }
0x7f: {  	_ =	shalt  }
0x80: {  	_ =	shalt  }
0x81: {  	_ =	shalt  }
0x82: {  	_ =	shalt  }
0x83: {  	_ =	shalt  }
0x84: {  	_ =	shalt  }
0x85: {  	_ =	shalt  }
0x86: {  	_ =	shalt  }
0x87: {  	_ =	shalt  }
.Lfunc_end0:
.L_simem_size_0:
called_computation_lowered:
.L_overlay_start_0:
0x88: {  	s2 =	sld [smem:$0x3FD9]  }
0x89: {  	s3 =	sld [smem:$0x3FFE];
	_ =	sdelay $0x1  }
0x8a: {  	s1 =	srdreg.scid  }
0x8b: {  	s0 =	sand.u32 $0x1, s1  }
0x8c: {  	s18 =	sshll.u32 s0, $0xA;
	s2 =	sadd.s32 s3, s2  }
0x8d: {  	s2 =	sadd.s32 s2, s18  }
0x8e: {  	[smem:$0x3FC6] =	sst s2  }
0x8f: {  	_ = 	snop  }
0x90: {  	s2 =	sld [smem:$0x3FC9]  }
0x91: {  	s19 =	sld [smem:$0x3FC8]  }
0x92: {  	s4 =	sld [smem:$0x3FD0];
	(tm) =	ssettm $0x1  }
0x93: {  	s5 =	sld [smem:$0x3FFB];
	_ =	sdelay $0x3  }
0x94: {  	_ =	strace s5  }
0x95: {  	s5 =	sld [smem:$0x3FFC];
	_ =	sdelay $0x3  }
0x96: {  	_ =	strace s5  }
0x97: {  	s5 =	sld [smem:$0x3FFD];
	_ =	sdelay $0x3  }
0x98: {  	_ =	strace s5  }
0x99: {  	_ =	strace $0x8FFFFFFF  }
0x9a: {  	s20 =	sld [smem:$0x3FDB];
	_ =	sdelay $0x1  }
0x9b: {  	s6 =	simm.s32 $_scs_section_size  }
0x9c: {  	s7 =	simm.s32 $_size__tile_overlayer_lowered;
	s8 =	simm.s32 $_tile_overlayer_lowered  }
0x9d: {  	s23 =	simm.s32 $0x1BFF;
	s22 =	sshll.u32 s8, $0x1;
	s5 =	sadd.s32 s6, s20  }
0x9e: {  	s9 =	simm.s32 $0x0;
	s21 =	sshll.u32 s7, $0x1;
	s7 =	sadd.s32 s22, s5  }
0x9f: {  	[timem:s9], [sflag:s23] =	dma.local [hbm:s7], s21  }
0xa0: {  	_ =	swait.ge [sflag:s23], s21  }
0xa1: {  	s6 =	ssub.s32 $0x0, s21;
	[sflag:s23] =	ssyncset.done $0x0  }
0xa2: {  	[sflag:s23] =	ssyncadd.s32 s6;
	_ =	sdelay $0x1  }
0xa3: {  	s24 =	simm.s32 $0x1B8B  }
0xa4: {  	_ =	swait.ge [sflag:s24], $0x1  }
0xa5: {  	[sflag:s24] =	ssyncset.done $0x0  }
0xa6: {  	s25 =	simm.s32 $0x1B8E;
	[sflag:s24] =	ssyncadd.s32 $0xFFFFFFFF  }
0xa7: {  	s26 =	simm.s32 $execute0_lowered;
	[smem:$0x3FD2] =	sst s25  }
0xa8: {  	s6 =	sshll.u32 s26, $0x1;
	_ =	strace $0x80000046;
	[dreg:$0x1] =	wrdreg $0xFFFFFFFF  }
0xa9: {  	s28 =	simm.s32 $_size_execute0_lowered;
	s5 =	sadd.s32 s5, s6;
	[dreg:$0x0] =	wrdreg $0x0  }
0xaa: {  	s6 =	sshll.u32 s28, $0x1;
	[dreg:$0x2] =	wrdreg s5  }
0xab: {  	[dreg:$0x3] =	wrdreg s6  }
0xac: {  	[dreg:$0x4] =	wrdreg $0xC0  }
0xad: {  	_ =	task [dreg:s9], $0x5FFFF  }
0xae: {  	[dreg:$0x1] =	wrdreg $0xFFFFFFFF  }
0xaf: {  	[dreg:$0x0] =	wrdreg $0x60  }
0xb0: {  	[dreg:$0x2] =	wrdreg s2  }
0xb1: {  	[dreg:$0x3] =	wrdreg s19  }
0xb2: {  	[dreg:$0x4] =	wrdreg s4  }
0xb3: {  	[dreg:$0x5] =	wrdreg $0x9  }
0xb4: {  	_ =	task.clear_ibuf [dreg:s9], $0x6FFFF;
	_ =	strace $0x90000046  }
0xb5: {  	s29 =	simm.s32 $0x9;
	_ =	strace $0x80000048  }
0xb6: {  	_ =	swait.ge [sflag:s29], $0x1  }
0xb7: {  	[sflag:s29] =	ssyncadd.s32 $0xFFFFFFFF  }
0xb8: {  	_ =	strace $0x90000048  }
0xb9: {  	_ =	sfence  }
0xba: {  	s30 =	sld [smem:$0x0];
	_ =	sdelay $0x2  }
0xbb: {  	s31 =	sshll.u32 s1, $0xD;
	s1 =	sshrl.u32 s1, $0x2  }
0xbc: {  	s3 =	sand.u32 $0x4000, s31;
	s1 =	sadd.s32 s1, s30  }
0xbd: {  	s0 =	sor.u32 s3, s0;
	s1 =	sshll.u32 s1, $0x11  }
0xbe: {  	s0 =	sor.u32 s1, s0  }
0xbf: {  	s0 =	sadd.s32 $0x8F2B, s0  }
0xc0: {  	[sflag:s0] =	ssyncadd.remote.s32 $0x1  }
0xc1: {  	_ =	sfence.sel $0xFFFF  }
0xc2: {  	[dreg:$0x0] =	wrdreg $0xFFFFFFFF;
	(pc) =	sbr.abs _section_cstart, $3  }
0xc3: {  	[dreg:$0x1] =	wrdreg $0xFFFFFFFF  }
0xc4: {  	_ =	task.clear_ibuf [dreg:s9], $0x2FFFF;
	_ =	strace $0x9FFFFFFF  }
0xc5: {  	(tm) =	ssettm $0x7FFFFFFF  }
tec
execute0_lowered:
.L_overlay_start_1:
0x0: {  	(tag) =	ssettag $0x1  }
0x1: {  	s2 =	rddreg [dreg:$0x0]  }
0x2: {  	s3 =	rddreg [dreg:$0x1]  }
0x3: {  	s4 =	rddreg [dreg:$0x2]  }
0x4: {  	s6 =	stileid.u32;
	s0 =	srdreg.scid;
	s5 =	simm.s32 $0x0  }
0x5: {  	s17 =	simm.s32 $0x4000;
	s18 =	simm.s32 $0xC000;
	s19 =	simm.s32 $0x1  }
0x6: {  	s20 =	simm.s32 $0x3;
	s21 =	simm.s32 $0x10000;
	s22 =	simm.s32 $0x2  }
0x7: {  	s23 =	simm.s32 $0x4;
	s24 =	simm.s32 $0x14000;
	s25 =	simm.s32 $0x5  }
0x8: {  	s26 =	simm.s32 $0x6;
	s28 =	simm.s32 $0x0;
	s1 =	sshll.u32 s6, $0x1  }
0x9: {  	s0 =	sand.u32 $0x1, s0;
	[smem:$0x7FF] =	sst s5;
	s1 =	sand.u32 $0x6, s1  }
0xa: {  	s6 =	sshll.u32 s6, $0x15;
	s1 =	sor.u32 s0, s1;
	s0 =	ssub.s32 $0x2, s0  }
0xb: {  	s6 =	sand.u32 $0x1800000, s6;
	s8 =	sshll.u32 s1, $0x14;
	s9 =	sshrl.u32 s0, $0x1  }
0xc: {  	_ =	strace $0x80000047;
	s7 =	sor.u32 s6, s8;
	s0 =	ssub.s32 s0, s9  }
0xd: {  	s10 =	sor.u32 $0x4000, s8;
	s8 =	sshll.u32 s1, $0xA;
	s1 =	sshll.u32 s1, $0x11  }
.Ltmp0:
0xe: {  	s30 =	sshrl.u32 s7, $0x3;
	s11 =	sor.u32 s6, s10;
	(pc) =	sbr.rel .LBB2_1-.Ltmp0, $4  }
0xf: {  	s12 =	sshrl.u32 s10, $0x3;
	s1 =	sadd.s32 s3, s1;
	s13 =	sor.u32 $0x20, s8  }
0x10: {  	s9 =	sadd.s32 s2, s30;
	s11 =	sshrl.u32 s11, $0x3;
	[dreg:$0x5] =	wrdreg s1  }
0x11: {  	s14 =	sor.u32 $0x30, s8;
	[dreg:$0x4] =	wrdreg s9;
	s31 =	sadd.s32 s2, s11  }
0x12: {  	s15 =	smax.u32 s0, $0x1;
	s12 =	sadd.s32 s3, s12;
	[dreg:$0x6] =	wrdreg s31  }
.LBB2_8:
0x13: {  	s28 =	sadd.s32 $0x1, s28  }
0x14: {  	_ =	swait.ge [sflag:s25], $0x4000;
	p0 =	sne.s32 s28, s15  }
.Ltmp1:
0x15: {  	[sflag:s25] =	ssyncset.done $0x0;
	(pc) =	sbr.rel @!p0 .LBB2_9-.Ltmp1, $4  }
0x16: {  	[sflag:s25] =	ssyncadd.s32 $0xFFFFC000  }
0x17: {  	_ =	swait.ge [sflag:s26], $0x4000  }
0x18: {  	[sflag:s26] =	ssyncset.done $0x0  }
0x19: {  	[sflag:s26] =	ssyncadd.s32 $0xFFFFC000  }
.LBB2_1:
0x1a: {  	s0 =	rddreg [dreg:$0x4]  }
0x1b: {  	[tilespmem:s5], [sflag:$0x1] =	stream.linear.gather [hbm4b:s0+s5], $0x4000, $0x38;
	[tilespmem:$0x18000] =	vst v63  }
0x1c: {  	s30 =	rddreg [dreg:$0x5];
	s1 =	simm.s32 $0x8000  }
0x1d: {  	[tilespmem:s1], [sflag:$0x3] =	stream.linear.gather [hbm4b:s30+s5], $0x4000, $0x38;
	[tilespmem:$0x18000] =	vst v63  }
0x1e: {  	s31 =	rddreg [dreg:$0x6]  }
0x1f: {  	[tilespmem:s17], [sflag:$0x2] =	stream.linear.gather [hbm4b:s31+s5], $0x4000, $0x38;
	[tilespmem:$0x18000] =	vst v63  }
0x20: {  	s29 =	simm.s32 $0x0  }
0x21: {  	[tilespmem:s18], [sflag:$0x4] =	stream.linear.gather [hbm4b:s12+s5], $0x4000, $0x38;
	[tilespmem:$0x18000] =	vst v63  }
.LBB2_2:
0x22: {  	_ =	swait.ge [sflag:s19], $0x4000  }
0x23: {  	[sflag:s19] =	ssyncset.done $0x0  }
0x24: {  	[sflag:s19] =	ssyncadd.s32 $0xFFFFC000  }
0x25: {  	p0 =	seq.s32 s29, $0x0;
	_ =	swait.ge [sflag:s20], $0x4000  }
0x26: {  	s0 =	simm.s32 $0x0;
	s16 =	simm.s32 $0x0;
	[sflag:s20] =	ssyncset.done $0x0  }
0x27: {  	s31 =	simm.s32 $0x0;
	s1 =	simm.s32 @!p0 $0x5;
	[sflag:s20] =	ssyncadd.s32 $0xFFFFC000  }
0x28: {  	s16 =	sand.u32 $0x2000, s16;
	s30 =	sand.u32 $0x1800, s0;
	_ =	swait.ge @!p0 [sflag:s1], $0x4000  }
0x29: {  	s16 =	sor.u32 s30, s16;
	s30 =	sand.u32 $0x380, s31;
	[sflag:s1] =	ssyncset.done @!p0 $0x0  }
0x2a: {  	s31 =	sor.u32 s30, s16;
	[sflag:s1] =	ssyncadd.s32 @!p0 $0xFFFFC000  }
0x2b: {  	v0 =	vld [tilespmem:s31+$0x470]  }
0x2c: {  	v1 =	vld [tilespmem:s31+$0x8470]  }
0x2d: {  	v2 =	vld [tilespmem:s31+$0x0]  }
0x2e: {  	v3 =	vld [tilespmem:s31+$0x8000]  }
0x2f: {  	v4 =	vld [tilespmem:s31+$0x10]  }
0x30: {  	v5 =	vld [tilespmem:s31+$0x8010]  }
0x31: {  	v6 =	vld [tilespmem:s31+$0x20]  }
0x32: {  	v7 =	vld [tilespmem:s31+$0x8020]  }
0x33: {  	v8 =	vld [tilespmem:s31+$0x30]  }
0x34: {  	v9 =	vld [tilespmem:s31+$0x8030]  }
0x35: {  	v10 =	vld [tilespmem:s31+$0x40]  }
0x36: {  	v11 =	vld [tilespmem:s31+$0x8040]  }
0x37: {  	v12 =	vld [tilespmem:s31+$0x50]  }
0x38: {  	v13 =	vld [tilespmem:s31+$0x8050]  }
0x39: {  	v14 =	vld [tilespmem:s31+$0x60]  }
0x3a: {  	v0 =	vadd.f32 v1, v0;
	v1 =	vld [tilespmem:s31+$0x8060]  }
0x3b: {  	v2 =	vadd.f32 v3, v2;
	v3 =	vld [tilespmem:s31+$0x70]  }
0x3c: {  	[tilespmem:s31+$0x10470] =	vst v0;
	v0 =	vadd.f32 v5, v4;
	v4 =	vld [tilespmem:s31+$0x8070]  }
0x3d: {  	[tilespmem:s31+$0x10000] =	vst v2;
	v2 =	vadd.f32 v7, v6;
	v5 =	vld [tilespmem:s31+$0x400]  }
0x3e: {  	v6 =	vld [tilespmem:s31+$0x8400];
	[tilespmem:s31+$0x10010] =	vst v0;
	v0 =	vadd.f32 v9, v8  }
0x3f: {  	v63 =	vld [tilespmem:s31+$0x8410];
	[tilespmem:s31+$0x10020] =	vst v2;
	v2 =	vadd.f32 v11, v10  }
0x40: {  	v7 =	vld [tilespmem:s31+$0x410];
	[tilespmem:s31+$0x10030] =	vst v0;
	v0 =	vadd.f32 v13, v12  }
0x41: {  	[tilespmem:s31+$0x10040] =	vst v2;
	v2 =	vadd.f32 v1, v14;
	v1 =	vld [tilespmem:s31+$0x420]  }
0x42: {  	v3 =	vadd.f32 v4, v3;
	v4 =	vld [tilespmem:s31+$0x8420];
	[tilespmem:s31+$0x10050] =	vst v0  }
0x43: {  	[tilespmem:s31+$0x10060] =	vst v2;
	v2 =	vadd.f32 v6, v5;
	v0 =	vld [tilespmem:s31+$0x430]  }
0x44: {  	[tilespmem:s31+$0x10070] =	vst v3;
	v3 =	vld [tilespmem:s31+$0x8430]  }
0x45: {  	s30 =	sshll.u32 s29, $0x5;
	s1 =	simm.s32 $0x0;
	v5 =	vadd.f32 v63, v7;
	[tilespmem:s31+$0x10400] =	vst v2;
	v2 =	vld [tilespmem:s31+$0x440]  }
.LBB2_3:
0x46: {  	s1 =	sadd.s32 $0x10, s1;
	v6 =	vld [tilespmem:s31+$0x8440]  }
0x47: {  	s0 =	sadd.s32 $0x800, s0;
	s16 =	sshll.u32 s1, $0x4;
	p1 =	slt.u32 s1, $0x3F0;
	[tilespmem:s31+$0x10410] =	vst v5;
	v1 =	vadd.f32 v4, v1;
	v4 =	vld [tilespmem:s31+$0x450]  }
0x48: {  	s9 =	sand.u32 $0x1800, s0;
	s10 =	sshll.u32 s1, $0x1;
	s16 =	sand.u32 $0x2000, s16;
	v5 =	vld [tilespmem:s31+$0x8450]  }
0x49: {  	s10 =	sand.u32 $0x380, s10;
	s9 =	sor.u32 s9, s16;
	[tilespmem:s31+$0x10420] =	vst v1;
	v0 =	vadd.f32 v3, v0;
	v1 =	vld [tilespmem:s31+$0x460]  }
0x4a: {  	s9 =	sor.u32 s10, s9;
	v3 =	vld [tilespmem:s31+$0x8460]  }
0x4b: {  	v7 =	vld [tilespmem:s9+$0x470];
	[tilespmem:s31+$0x10430] =	vst v0;
	v0 =	vadd.f32 v6, v2  }
0x4c: {  	v2 =	vld [tilespmem:s9+$0x8470]  }
0x4d: {  	v6 =	vld [tilespmem:s9+$0x0];
	[tilespmem:s31+$0x10440] =	vst v0;
	v0 =	vadd.f32 v5, v4  }
0x4e: {  	v4 =	vld [tilespmem:s9+$0x8000]  }
0x4f: {  	v5 =	vld [tilespmem:s9+$0x10];
	[tilespmem:s31+$0x10450] =	vst v0;
	v0 =	vadd.f32 v3, v1  }
0x50: {  	v1 =	vld [tilespmem:s9+$0x8010]  }
0x51: {  	v3 =	vld [tilespmem:s9+$0x20];
	v2 =	vadd.f32 v2, v7;
	[tilespmem:s31+$0x10460] =	vst v0;
	s31 =	smov.u32 s9  }
0x52: {  	v0 =	vld [tilespmem:s31+$0x8020]  }
0x53: {  	v4 =	vadd.f32 v4, v6;
	v6 =	vld [tilespmem:s31+$0x30];
	[tilespmem:s31+$0x10470] =	vst v2  }
0x54: {  	v2 =	vld [tilespmem:s31+$0x8030]  }
0x55: {  	[tilespmem:s31+$0x10000] =	vst v4;
	v1 =	vadd.f32 v1, v5;
	v4 =	vld [tilespmem:s31+$0x40]  }
0x56: {  	v5 =	vld [tilespmem:s31+$0x8040]  }
0x57: {  	[tilespmem:s31+$0x10010] =	vst v1;
	v0 =	vadd.f32 v0, v3;
	v1 =	vld [tilespmem:s31+$0x50]  }
0x58: {  	v3 =	vld [tilespmem:s31+$0x8050]  }
0x59: {  	[tilespmem:s31+$0x10020] =	vst v0;
	v0 =	vadd.f32 v2, v6;
	v2 =	vld [tilespmem:s31+$0x60]  }
0x5a: {  	v6 =	vld [tilespmem:s31+$0x8060]  }
0x5b: {  	[tilespmem:s31+$0x10030] =	vst v0;
	v0 =	vadd.f32 v5, v4;
	v4 =	vld [tilespmem:s31+$0x70]  }
0x5c: {  	v5 =	vld [tilespmem:s31+$0x8070]  }
0x5d: {  	[tilespmem:s31+$0x10040] =	vst v0;
	v0 =	vadd.f32 v3, v1;
	v3 =	vld [tilespmem:s31+$0x400]  }
0x5e: {  	v7 =	vld [tilespmem:s31+$0x8400]  }
0x5f: {  	[tilespmem:s31+$0x10050] =	vst v0;
	v0 =	vadd.f32 v6, v2;
	v2 =	vld [tilespmem:s31+$0x410]  }
0x60: {  	v6 =	vld [tilespmem:s31+$0x8410]  }
.Ltmp2:
0x61: {  	[tilespmem:s31+$0x10060] =	vst v0;
	v0 =	vadd.f32 v5, v4;
	v1 =	vld [tilespmem:s31+$0x420];
	(pc) =	sbr.rel @p1 .LBB2_3-.Ltmp2, $4  }
0x62: {  	v4 =	vld [tilespmem:s31+$0x8420]  }
0x63: {  	[tilespmem:s31+$0x10070] =	vst v0;
	v5 =	vadd.f32 v7, v3;
	v0 =	vld [tilespmem:s31+$0x430]  }
0x64: {  	v3 =	vld [tilespmem:s31+$0x8430]  }
0x65: {  	[tilespmem:s31+$0x10400] =	vst v5;
	v5 =	vadd.f32 v6, v2;
	v2 =	vld [tilespmem:s31+$0x440]  }
0x66: {  	v6 =	vld [tilespmem:s31+$0x8440]  }
0x67: {  	v7 =	vld [tilespmem:s31+$0x450]  }
0x68: {  	v8 =	vld [tilespmem:s31+$0x8450]  }
0x69: {  	v9 =	vld [tilespmem:s31+$0x460]  }
0x6a: {  	v10 =	vld [tilespmem:s31+$0x8460]  }
0x6b: {  	v1 =	vadd.f32 v4, v1  }
0x6c: {  	[tilespmem:s31+$0x10410] =	vst v5;
	v0 =	vadd.f32 v3, v0  }
0x6d: {  	[tilespmem:s31+$0x10420] =	vst v1;
	v1 =	vadd.f32 v6, v2  }
0x6e: {  	s0 =	sshll.u32 s29, $0xF;
	[tilespmem:s31+$0x10430] =	vst v0;
	v0 =	vadd.f32 v8, v7  }
0x6f: {  	s0 =	sadd.s32 s7, s0;
	[tilespmem:s31+$0x10440] =	vst v1;
	v1 =	vadd.f32 v10, v9  }
0x70: {  	s0 =	sshrl.u32 s0, $0x3;
	[tilespmem:s31+$0x10450] =	vst v0  }
0x71: {  	p1 =	seq.s32 s29, $0x1F;
	s0 =	sadd.s32 s4, s0;
	[tilespmem:s31+$0x10460] =	vst v1  }
0x72: {  	[hbm4b:s0+s5] =	stream.linear.scatter [tilespmem:s21], [sflag:$0x5], $0x4000, $0x38;
	[tilespmem:$0x18000] =	vst v63  }
0x73: {  	s0 =	sadd.s32 @!p1 s30, s13  }
0x74: {  	s1 =	sshll.u32 @!p1 s0, $0xA  }
0x75: {  	s1 =	sadd.s32 @!p1 s6, s1  }
0x76: {  	s1 =	sshrl.u32 @!p1 s1, $0x3  }
0x77: {  	s9 =	simm.s32 @!p1 $0x0;
	s0 =	sshll.u32 @!p1 s0, $0x7;
	s1 =	sadd.s32 @!p1 s2, s1  }
0x78: {  	[tilespmem:s9], [sflag:$0x1] =	stream.linear.gather @!p1 [hbm4b:s1+s9], $0x4000, $0x38;
	[tilespmem:$0x18000] =	vst v63  }
0x79: {  	s0 =	sadd.s32 @!p1 s3, s0;
	s1 =	simm.s32 @!p1 $0x8000  }
0x7a: {  	[tilespmem:s1], [sflag:$0x3] =	stream.linear.gather @!p1 [hbm4b:s0+s9], $0x4000, $0x38;
	[tilespmem:$0x18000] =	vst v63  }
0x7b: {  	_ =	swait.ge [sflag:s22], $0x4000  }
0x7c: {  	[sflag:s22] =	ssyncset.done $0x0  }
0x7d: {  	[sflag:s22] =	ssyncadd.s32 $0xFFFFC000  }
0x7e: {  	_ =	swait.ge [sflag:s23], $0x4000  }
0x7f: {  	s10 =	simm.s32 $0x0;
	s16 =	simm.s32 $0x0;
	[sflag:s23] =	ssyncset.done $0x0  }
0x80: {  	s1 =	simm.s32 @!p0 $0x6;
	s0 =	simm.s32 $0x0;
	[sflag:s23] =	ssyncadd.s32 $0xFFFFC000  }
0x81: {  	s9 =	sand.u32 $0x2000, s10;
	s10 =	sand.u32 $0x1800, s0;
	_ =	swait.ge @!p0 [sflag:s1], $0x4000  }
0x82: {  	s11 =	sand.u32 $0x380, s16;
	s9 =	sor.u32 s10, s9;
	[sflag:s1] =	ssyncset.done @!p0 $0x0  }
0x83: {  	s31 =	sor.u32 s11, s9;
	[sflag:s1] =	ssyncadd.s32 @!p0 $0xFFFFC000  }
0x84: {  	v0 =	vld [tilespmem:s31+$0x4470]  }
0x85: {  	v1 =	vld [tilespmem:s31+$0xC470]  }
0x86: {  	v2 =	vld [tilespmem:s31+$0x4000]  }
0x87: {  	v3 =	vld [tilespmem:s31+$0xC000]  }
0x88: {  	v4 =	vld [tilespmem:s31+$0x4010]  }
0x89: {  	v5 =	vld [tilespmem:s31+$0xC010]  }
0x8a: {  	v6 =	vld [tilespmem:s31+$0x4020]  }
0x8b: {  	v7 =	vld [tilespmem:s31+$0xC020]  }
0x8c: {  	v60 =	vld [tilespmem:s31+$0x4030]  }
0x8d: {  	v61 =	vld [tilespmem:s31+$0xC030]  }
0x8e: {  	v62 =	vld [tilespmem:s31+$0x4040]  }
0x8f: {  	v11 =	vld [tilespmem:s31+$0xC040]  }
0x90: {  	v12 =	vld [tilespmem:s31+$0x4050]  }
0x91: {  	v13 =	vld [tilespmem:s31+$0xC050]  }
0x92: {  	v14 =	vld [tilespmem:s31+$0x4060]  }
0x93: {  	v0 =	vadd.f32 v1, v0;
	v1 =	vld [tilespmem:s31+$0xC060]  }
0x94: {  	v2 =	vadd.f32 v3, v2;
	v3 =	vld [tilespmem:s31+$0x4070]  }
0x95: {  	[tilespmem:s31+$0x14470] =	vst v0;
	v0 =	vadd.f32 v5, v4;
	v4 =	vld [tilespmem:s31+$0xC070]  }
0x96: {  	[tilespmem:s31+$0x14000] =	vst v2;
	v2 =	vadd.f32 v7, v6;
	v5 =	vld [tilespmem:s31+$0x4400]  }
0x97: {  	v6 =	vld [tilespmem:s31+$0xC400];
	[tilespmem:s31+$0x14010] =	vst v0;
	v0 =	vadd.f32 v61, v60  }
0x98: {  	v63 =	vld [tilespmem:s31+$0xC410];
	[tilespmem:s31+$0x14020] =	vst v2;
	v2 =	vadd.f32 v11, v62  }
0x99: {  	v7 =	vld [tilespmem:s31+$0x4410];
	[tilespmem:s31+$0x14030] =	vst v0;
	v0 =	vadd.f32 v13, v12  }
0x9a: {  	[tilespmem:s31+$0x14040] =	vst v2;
	v2 =	vadd.f32 v1, v14;
	v1 =	vld [tilespmem:s31+$0x4420]  }
0x9b: {  	v3 =	vadd.f32 v4, v3;
	v4 =	vld [tilespmem:s31+$0xC420];
	[tilespmem:s31+$0x14050] =	vst v0  }
0x9c: {  	[tilespmem:s31+$0x14060] =	vst v2;
	v2 =	vadd.f32 v6, v5;
	v0 =	vld [tilespmem:s31+$0x4430]  }
0x9d: {  	s16 =	sadd.s32 s30, s8;
	[tilespmem:s31+$0x14070] =	vst v3;
	v3 =	vld [tilespmem:s31+$0xC430]  }
0x9e: {  	s1 =	sadd.s32 $0x10, s16;
	s16 =	simm.s32 $0x0;
	v5 =	vadd.f32 v63, v7;
	[tilespmem:s31+$0x14400] =	vst v2;
	v2 =	vld [tilespmem:s31+$0x4440]  }
.LBB2_5:
0x9f: {  	s16 =	sadd.s32 $0x10, s16;
	v6 =	vld [tilespmem:s31+$0xC440]  }
0xa0: {  	s0 =	sadd.s32 $0x800, s0;
	s9 =	sshll.u32 s16, $0x4;
	p0 =	slt.u32 s16, $0x3F0;
	[tilespmem:s31+$0x14410] =	vst v5;
	v1 =	vadd.f32 v4, v1;
	v4 =	vld [tilespmem:s31+$0x4450]  }
0xa1: {  	s10 =	sand.u32 $0x1800, s0;
	s11 =	sshll.u32 s16, $0x1;
	s9 =	sand.u32 $0x2000, s9;
	v5 =	vld [tilespmem:s31+$0xC450]  }
0xa2: {  	s9 =	sor.u32 s10, s9;
	s10 =	sand.u32 $0x380, s11;
	[tilespmem:s31+$0x14420] =	vst v1;
	v0 =	vadd.f32 v3, v0;
	v1 =	vld [tilespmem:s31+$0x4460]  }
0xa3: {  	s9 =	sor.u32 s10, s9;
	v3 =	vld [tilespmem:s31+$0xC460]  }
0xa4: {  	v7 =	vld [tilespmem:s9+$0x4470];
	[tilespmem:s31+$0x14430] =	vst v0;
	v0 =	vadd.f32 v6, v2  }
0xa5: {  	v2 =	vld [tilespmem:s9+$0xC470]  }
0xa6: {  	v6 =	vld [tilespmem:s9+$0x4000];
	[tilespmem:s31+$0x14440] =	vst v0;
	v0 =	vadd.f32 v5, v4  }
0xa7: {  	v4 =	vld [tilespmem:s9+$0xC000]  }
0xa8: {  	v5 =	vld [tilespmem:s9+$0x4010];
	[tilespmem:s31+$0x14450] =	vst v0;
	v0 =	vadd.f32 v3, v1  }
0xa9: {  	v1 =	vld [tilespmem:s9+$0xC010]  }
0xaa: {  	v3 =	vld [tilespmem:s9+$0x4020];
	v2 =	vadd.f32 v2, v7;
	[tilespmem:s31+$0x14460] =	vst v0;
	s31 =	smov.u32 s9  }
0xab: {  	v0 =	vld [tilespmem:s31+$0xC020]  }
0xac: {  	v4 =	vadd.f32 v4, v6;
	v6 =	vld [tilespmem:s31+$0x4030];
	[tilespmem:s31+$0x14470] =	vst v2  }
0xad: {  	v2 =	vld [tilespmem:s31+$0xC030]  }
0xae: {  	[tilespmem:s31+$0x14000] =	vst v4;
	v1 =	vadd.f32 v1, v5;
	v4 =	vld [tilespmem:s31+$0x4040]  }
0xaf: {  	v5 =	vld [tilespmem:s31+$0xC040]  }
0xb0: {  	[tilespmem:s31+$0x14010] =	vst v1;
	v0 =	vadd.f32 v0, v3;
	v1 =	vld [tilespmem:s31+$0x4050]  }
0xb1: {  	v3 =	vld [tilespmem:s31+$0xC050]  }
0xb2: {  	[tilespmem:s31+$0x14020] =	vst v0;
	v0 =	vadd.f32 v2, v6;
	v2 =	vld [tilespmem:s31+$0x4060]  }
0xb3: {  	v6 =	vld [tilespmem:s31+$0xC060]  }
0xb4: {  	[tilespmem:s31+$0x14030] =	vst v0;
	v0 =	vadd.f32 v5, v4;
	v4 =	vld [tilespmem:s31+$0x4070]  }
0xb5: {  	v5 =	vld [tilespmem:s31+$0xC070]  }
0xb6: {  	[tilespmem:s31+$0x14040] =	vst v0;
	v0 =	vadd.f32 v3, v1;
	v3 =	vld [tilespmem:s31+$0x4400]  }
0xb7: {  	v7 =	vld [tilespmem:s31+$0xC400]  }
0xb8: {  	[tilespmem:s31+$0x14050] =	vst v0;
	v0 =	vadd.f32 v6, v2;
	v2 =	vld [tilespmem:s31+$0x4410]  }
0xb9: {  	v6 =	vld [tilespmem:s31+$0xC410]  }
.Ltmp3:
0xba: {  	[tilespmem:s31+$0x14060] =	vst v0;
	v0 =	vadd.f32 v5, v4;
	v1 =	vld [tilespmem:s31+$0x4420];
	(pc) =	sbr.rel @p0 .LBB2_5-.Ltmp3, $4  }
0xbb: {  	v4 =	vld [tilespmem:s31+$0xC420]  }
0xbc: {  	[tilespmem:s31+$0x14070] =	vst v0;
	v5 =	vadd.f32 v7, v3;
	v0 =	vld [tilespmem:s31+$0x4430]  }
0xbd: {  	v3 =	vld [tilespmem:s31+$0xC430]  }
0xbe: {  	[tilespmem:s31+$0x14400] =	vst v5;
	v5 =	vadd.f32 v6, v2;
	v2 =	vld [tilespmem:s31+$0x4440]  }
0xbf: {  	v6 =	vld [tilespmem:s31+$0xC440]  }
0xc0: {  	v7 =	vld [tilespmem:s31+$0x4450]  }
0xc1: {  	v8 =	vld [tilespmem:s31+$0xC450]  }
0xc2: {  	v9 =	vld [tilespmem:s31+$0x4460]  }
0xc3: {  	v10 =	vld [tilespmem:s31+$0xC460]  }
0xc4: {  	v1 =	vadd.f32 v4, v1  }
0xc5: {  	[tilespmem:s31+$0x14410] =	vst v5;
	v0 =	vadd.f32 v3, v0  }
0xc6: {  	[tilespmem:s31+$0x14420] =	vst v1;
	v61 =	vadd.f32 v6, v2  }
.Ltmp4:
0xc7: {  	s0 =	sshll.u32 s1, $0xA;
	[tilespmem:s31+$0x14430] =	vst v0;
	v62 =	vadd.f32 v8, v7;
	(pc) =	sbr.rel @p1 .LBB2_8-.Ltmp4, $4  }
0xc8: {  	s0 =	sadd.s32 s6, s0;
	v63 =	vadd.f32 v10, v9;
	[tilespmem:s31+$0x14440] =	vst v61  }
0xc9: {  	s0 =	sshrl.u32 s0, $0x3;
	[tilespmem:s31+$0x14450] =	vst v62  }
0xca: {  	s0 =	sadd.s32 s4, s0;
	[tilespmem:s31+$0x14460] =	vst v63  }
0xcb: {  	[hbm4b:s0+s5] =	stream.linear.scatter [tilespmem:s24], [sflag:$0x6], $0x4000, $0x38;
	[tilespmem:$0x18000] =	vst v63  }
0xcc: {  	s0 =	sadd.s32 s30, s14  }
0xcd: {  	s1 =	sshll.u32 s0, $0xA  }
0xce: {  	s1 =	sadd.s32 s6, s1  }
.Ltmp5:
0xcf: {  	s1 =	sshrl.u32 s1, $0x3;
	(pc) =	sbr.rel .LBB2_2-.Ltmp5, $4  }
0xd0: {  	s0 =	sshll.u32 s0, $0x7;
	s1 =	sadd.s32 s2, s1  }
0xd1: {  	[tilespmem:s17], [sflag:$0x2] =	stream.linear.gather [hbm4b:s1+s5], $0x4000, $0x38;
	[tilespmem:$0x18000] =	vst v63  }
0xd2: {  	s29 =	sadd.s32 $0x1, s29;
	s0 =	sadd.s32 s3, s0  }
0xd3: {  	[tilespmem:s18], [sflag:$0x4] =	stream.linear.gather [hbm4b:s0+s5], $0x4000, $0x38;
	[tilespmem:$0x18000] =	vst v63  }
.LBB2_9:
0xd4: {  	_ =	sfence.sel $0x180000  }
0xd5: {  	[bflag:$0x0] =	sbarrier.arrive $0xFFFF  }
0xd6: {  	_ =	strace $0x90000047  }
0xd7: {  	s0 =	stileid.u32;
	[bflag:$0x2] =	sbarrier.arrive $0xFFFF  }
0xd8: {  	p0 =	sne.s32 s0, $0x0;
	s0 =	rddreg [dreg:$0x3]  }
0xd9: {  	s0 =	sadd.s32 @!p0 $0x100000, s0  }
0xda: {  	[sflag:s0] =	ssyncadd.tile.s32 @!p0 $0x1;
	_ =	shalt  }
.Lfunc_end2:
_tile_overlayer_lowered:
.L_overlay_start_2:
0xdb: {  	(tag) =	ssettag $0x2  }
0xdc: {  	s0 =	rddreg [dreg:$0x0];
	s2 =	stileid.u32  }
0xdd: {  	s1 =	rddreg [dreg:$0x1];
	p0 =	sne.s32 s2, $0x0  }
0xde: {  	s3 =	rddreg [dreg:$0x2];
	[bflag:$0x3] =	sbarrier.arrive $0xFFFF;
	s2 =	simm.s32 @!p0 $0x1C07  }
0xdf: {  	[timem:s3], [sflag:s2] =	dma.local @!p0 [hbm:s0], s1  }
0xe0: {  	s0 =	simm.s32 @!p0 $0x7  }
0xe1: {  	_ =	swait.ge @!p0 [sflag:s0], s1  }
0xe2: {  	s1 =	ssub.s32 @!p0 $0x0, s1;
	[sflag:s0] =	ssyncset.done @!p0 $0x0  }
0xe3: {  	[sflag:s0] =	ssyncadd.s32 @!p0 s1  }
0xe4: {  	[bflag:$0x3] =	sbarrier.arrive $0xFFFF  }
0xe5: {  	_ =	shalt  }

</sc_bundles>
